<compile_context>
chip_gen: v7x
topology: tpu7x:2x2x1
jax: 0.10.2.dev20260603
libtpu: 0.0.44.dev20260713+nightly
codegen_flags: <defaults>
</compile_context>

<pallas_src>
import functools

import jax
import jax.numpy as jnp
from jax import lax
from jax.experimental import pallas as pl
from jax.experimental.pallas import tpu as pltpu
from jax.experimental.pallas import tpu_sc as plsc

N = 32768
L = 16
NS = 16
CHUNK = N // NS
NV = CHUNK // L

_mesh = plsc.VectorSubcoreMesh(
    core_axis_name="c", subcore_axis_name="s", num_cores=1
)


@functools.partial(
    pl.kernel,
    mesh=_mesh,
    out_type=jax.ShapeDtypeStruct((N,), jnp.float32),
    scratch_types=[
        pltpu.VMEM((CHUNK,), jnp.float32),
        pltpu.VMEM((CHUNK,), jnp.float32),
        pltpu.VMEM_SHARED((NS * L,), jnp.float32),
    ],
    compiler_params=pltpu.CompilerParams(needs_layout_passes=False),
)
def _sc_excl_cumsum(x_hbm, out_hbm, xv, ov, shared):
    sid = lax.axis_index("s")
    base = sid * CHUNK

    pltpu.sync_copy(x_hbm.at[pl.ds(base, CHUNK)], xv)

    @plsc.parallel_loop(0, NV, unroll=8, carry=jnp.zeros((L,), jnp.float32))
    def acc(i, a):
        return a + xv[pl.ds(i * L, L)]

    total = jnp.sum(acc)

    ov[pl.ds(0, L)] = jnp.full((L,), total, jnp.float32)
    pltpu.sync_copy(ov.at[pl.ds(0, L)], shared.at[pl.ds(sid * L, L)])
    plsc.subcore_barrier()
    plsc.subcore_barrier()
    pltpu.sync_copy(shared, ov.at[pl.ds(0, NS * L)])

    lane = lax.iota(jnp.int32, L)
    t_vec = plsc.load_gather(ov, [lane * L])
    offset = jnp.sum(jnp.where(lane < sid, t_vec, jnp.zeros((L,), jnp.float32)))

    last = jnp.full((L,), L - 1, jnp.int32)

    @plsc.parallel_loop(
        0, NV, unroll=8, carry=jnp.full((L,), offset, jnp.float32)
    )
    def _(i, carry):
        v = xv[pl.ds(i * L, L)]
        y = jnp.cumsum(v)
        ov[pl.ds(i * L, L)] = (y - v) + carry
        return carry + y.at[last].get(mode="promise_in_bounds")

    pltpu.sync_copy(ov, out_hbm.at[pl.ds(base, CHUNK)])


def kernel(input_0):
    return _sc_excl_cumsum(input_0)

# --- scband reference (transcript-rebuilt; emitter-appended) ---
"""Pipeline reference for scband-model-new-44684839748041 (READ-ONLY COPY).

The authoritative reference and input builder live on the scoring server;
editing this copy changes nothing except your own understanding.
"""

import jax, jax.numpy as jnp
import numpy as np


def setup_inputs(seed: int = 0) -> dict:
    key = jax.random.key(seed)
    x = jax.random.normal(key, (32768,), dtype=jnp.float32)
    return {"input_0": x}


def reference(input_0):
    # Exclusive cumulative sum along dim 0: out[0] = 0, out[i] = sum(x[0:i]).
    # Equivalent to cumsum(cat([0, x])[:-1]).
    x = input_0
    shifted = jnp.concatenate([jnp.zeros((1,), dtype=x.dtype), x], axis=0)[:-1]
    return jnp.cumsum(shifted, axis=0)

if __name__ == "__main__":
    import jax
    _d = setup_inputs()
    print(jax.jit(kernel)(*tuple(_d.values())))

</pallas_src>

<mosaic_0001>
#map = affine_map<(d0, d1) -> (0)>
module attributes {stable_mosaic.version = 14 : i64} {
  func.func @_sc_excl_cumsum(%arg0: i32, %arg1: i32, %arg2: memref<32768xf32, #tpu.memory_space<hbm>>, %arg3: memref<32768xf32, #tpu.memory_space<hbm>>, %arg4: memref<2048xf32, #tpu.memory_space<vmem>>, %arg5: memref<2048xf32, #tpu.memory_space<vmem>>, %arg6: memref<256xf32, #tpu.memory_space<vmem_shared>>) attributes {dimension_semantics = [#tpu.dimension_semantics<core_parallel>, #tpu.dimension_semantics<subcore_parallel>], iteration_bounds = array<i64: 1, 16>, scalar_prefetch = 0 : i64, scratch_operands = 3 : i64, tpu.core_type = #tpu.core_type<sc_vector_subcore>, window_params = [{transform_indices = #map}, {transform_indices = #map}]} {
    %mul3A = arith.constant 2048 : i32
    %mul3A_0 = arith.muli %arg1, %mul3A : i32
    "tpu.region"() ({
      %run_scoped3A = tpu.sem_alloc : memref<!tpu.dma_semaphore, #tpu.memory_space<semaphore_mem>>
      %dma_start3A = tpu.memref_slice %arg2[%mul3A_0] : memref<32768xf32, #tpu.memory_space<hbm>> -> memref<2048xf32, #tpu.memory_space<hbm>>
      %dma_start3A_30 = tpu.memref_slice %arg2[%mul3A_0] : memref<32768xf32, #tpu.memory_space<hbm>> -> memref<2048xf32, #tpu.memory_space<hbm>>
      tpu.enqueue_dma source(%dma_start3A_30 : memref<2048xf32, #tpu.memory_space<hbm>>) target(%arg4 : memref<2048xf32, #tpu.memory_space<vmem>>) target_semaphore(%run_scoped3A : memref<!tpu.dma_semaphore, #tpu.memory_space<semaphore_mem>>)
      %dma_wait3A = tpu.memref_slice %arg2[%mul3A_0] : memref<32768xf32, #tpu.memory_space<hbm>> -> memref<2048xf32, #tpu.memory_space<hbm>>
      %dma_wait3A_31 = tpu.memref_slice %arg2[%mul3A_0] : memref<32768xf32, #tpu.memory_space<hbm>> -> memref<2048xf32, #tpu.memory_space<hbm>>
      tpu.wait_dma2 semaphore(%run_scoped3A : memref<!tpu.dma_semaphore, #tpu.memory_space<semaphore_mem>>) src(%dma_wait3A_31 : memref<2048xf32, #tpu.memory_space<hbm>>) dst(%arg4 : memref<2048xf32, #tpu.memory_space<vmem>>)
      tpu.yield
    }) : () -> ()
    %broadcast_in_dim3A = arith.constant 0.000000e+00 : f32
    %broadcast_in_dim3A_1 = vector.broadcast %broadcast_in_dim3A : f32 to vector<16xf32>
    %parallel_loop3A = arith.constant 0 : i32
    %parallel_loop3A_2 = arith.constant 128 : i32
    %parallel_loop3A_3 = arith.constant 1 : i32
    %parallel_loop3A_4 = scf.for %parallel_loop3A_30 = %parallel_loop3A to %parallel_loop3A_2 step %parallel_loop3A_3 iter_args(%parallel_loop3A_31 = %broadcast_in_dim3A_1) -> (vector<16xf32>)  : i32 {
      %parallel_loop3A_32 = arith.constant 16 : i32
      %parallel_loop3A_33 = arith.muli %parallel_loop3A_30, %parallel_loop3A_32 : i32
      %parallel_loop3A_34 = arith.index_cast %parallel_loop3A_33 : i32 to index
      %parallel_loop3A_35 = tpu.vector_load %arg4[%parallel_loop3A_34] {strides = array<i32>} : memref<2048xf32, #tpu.memory_space<vmem>>, vector<16xf32>,
      %parallel_loop3A_36 = arith.addf %parallel_loop3A_31, %parallel_loop3A_35 : vector<16xf32>
      scf.yield %parallel_loop3A_36 : vector<16xf32>
    } {sc.loop_unroll_factor = 8 : i64, sc.parallel_access}
    %reduce_sum3A = arith.constant true
    %reduce_sum3A_5 = vector.broadcast %reduce_sum3A : i1 to vector<16xi1>
    %reduce_sum3A_6 = tpu.scan <sum>, %parallel_loop3A_4 masked %reduce_sum3A_5 : vector<16xf32>, vector<16xi1> -> vector<16xf32>
    %reduce_sum3A_7 = vector.extract %reduce_sum3A_6[15] : f32 from vector<16xf32>
    %broadcast_in_dim3A_8 = vector.broadcast %reduce_sum3A_7 : f32 to vector<16xf32>
    %swap3A = arith.constant 0 : index
    %swap3A_9 = tpu.vector_load %arg5[%swap3A] {strides = array<i32>} : memref<2048xf32, #tpu.memory_space<vmem>>, vector<16xf32>,
    tpu.vector_store %arg5[%swap3A], %broadcast_in_dim3A_8 {strides = array<i32>} : memref<2048xf32, #tpu.memory_space<vmem>>, vector<16xf32>,
    %mul3A_10 = arith.constant 16 : i32
    %mul3A_11 = arith.muli %arg1, %mul3A_10 : i32
    "tpu.region"() ({
      %run_scoped3A = tpu.sem_alloc : memref<!tpu.dma_semaphore, #tpu.memory_space<semaphore_mem>>
      %dma_start3A = arith.constant 0 : i32
      %dma_start3A_30 = tpu.memref_slice %arg5[%dma_start3A] : memref<2048xf32, #tpu.memory_space<vmem>> -> memref<16xf32, #tpu.memory_space<vmem>>
      %dma_start3A_31 = tpu.memref_slice %arg6[%mul3A_11] : memref<256xf32, #tpu.memory_space<vmem_shared>> -> memref<16xf32, #tpu.memory_space<vmem_shared>>
      %dma_start3A_32 = tpu.memref_slice %arg6[%mul3A_11] : memref<256xf32, #tpu.memory_space<vmem_shared>> -> memref<16xf32, #tpu.memory_space<vmem_shared>>
      %dma_start3A_33 = arith.constant 0 : i32
      %dma_start3A_34 = tpu.memref_slice %arg5[%dma_start3A_33] : memref<2048xf32, #tpu.memory_space<vmem>> -> memref<16xf32, #tpu.memory_space<vmem>>
      tpu.enqueue_dma source(%dma_start3A_34 : memref<16xf32, #tpu.memory_space<vmem>>) target(%dma_start3A_32 : memref<16xf32, #tpu.memory_space<vmem_shared>>) target_semaphore(%run_scoped3A : memref<!tpu.dma_semaphore, #tpu.memory_space<semaphore_mem>>)
      %dma_wait3A = arith.constant 0 : i32
      %dma_wait3A_35 = tpu.memref_slice %arg5[%dma_wait3A] : memref<2048xf32, #tpu.memory_space<vmem>> -> memref<16xf32, #tpu.memory_space<vmem>>
      %dma_wait3A_36 = tpu.memref_slice %arg6[%mul3A_11] : memref<256xf32, #tpu.memory_space<vmem_shared>> -> memref<16xf32, #tpu.memory_space<vmem_shared>>
      %dma_wait3A_37 = tpu.memref_slice %arg6[%mul3A_11] : memref<256xf32, #tpu.memory_space<vmem_shared>> -> memref<16xf32, #tpu.memory_space<vmem_shared>>
      %dma_wait3A_38 = arith.constant 0 : i32
      %dma_wait3A_39 = tpu.memref_slice %arg5[%dma_wait3A_38] : memref<2048xf32, #tpu.memory_space<vmem>> -> memref<16xf32, #tpu.memory_space<vmem>>
      tpu.wait_dma2 semaphore(%run_scoped3A : memref<!tpu.dma_semaphore, #tpu.memory_space<semaphore_mem>>) src(%dma_wait3A_39 : memref<16xf32, #tpu.memory_space<vmem>>) dst(%dma_wait3A_37 : memref<16xf32, #tpu.memory_space<vmem_shared>>)
      tpu.yield
    }) : () -> ()
    %barrier3A = arith.constant 0 : index
    tpu.barrier barrier_id(%barrier3A)
    %barrier3A_12 = arith.constant 0 : index
    tpu.barrier barrier_id(%barrier3A_12)
    "tpu.region"() ({
      %run_scoped3A = tpu.sem_alloc : memref<!tpu.dma_semaphore, #tpu.memory_space<semaphore_mem>>
      %dma_start3A = arith.constant 0 : i32
      %dma_start3A_30 = tpu.memref_slice %arg5[%dma_start3A] : memref<2048xf32, #tpu.memory_space<vmem>> -> memref<256xf32, #tpu.memory_space<vmem>>
      %dma_start3A_31 = arith.constant 0 : i32
      %dma_start3A_32 = tpu.memref_slice %arg5[%dma_start3A_31] : memref<2048xf32, #tpu.memory_space<vmem>> -> memref<256xf32, #tpu.memory_space<vmem>>
      tpu.enqueue_dma source(%arg6 : memref<256xf32, #tpu.memory_space<vmem_shared>>) target(%dma_start3A_32 : memref<256xf32, #tpu.memory_space<vmem>>) target_semaphore(%run_scoped3A : memref<!tpu.dma_semaphore, #tpu.memory_space<semaphore_mem>>)
      %dma_wait3A = arith.constant 0 : i32
      %dma_wait3A_33 = tpu.memref_slice %arg5[%dma_wait3A] : memref<2048xf32, #tpu.memory_space<vmem>> -> memref<256xf32, #tpu.memory_space<vmem>>
      %dma_wait3A_34 = arith.constant 0 : i32
      %dma_wait3A_35 = tpu.memref_slice %arg5[%dma_wait3A_34] : memref<2048xf32, #tpu.memory_space<vmem>> -> memref<256xf32, #tpu.memory_space<vmem>>
      tpu.wait_dma2 semaphore(%run_scoped3A : memref<!tpu.dma_semaphore, #tpu.memory_space<semaphore_mem>>) src(%arg6 : memref<256xf32, #tpu.memory_space<vmem_shared>>) dst(%dma_wait3A_35 : memref<256xf32, #tpu.memory_space<vmem>>)
      tpu.yield
    }) : () -> ()
    %iota3A = tpu.iota {dimensions = array<i32: 0>} : vector<16xi32>
    %mul3A_13 = arith.constant 16 : i32
    %mul3A_14 = vector.broadcast %mul3A_13 : i32 to vector<16xi32>
    %mul3A_15 = arith.muli %iota3A, %mul3A_14 : vector<16xi32>
    %gather3A = tpu.vector_load_idx %arg5[%mul3A_15] : memref<2048xf32, #tpu.memory_space<vmem>>[vector<16xi32>], vector<16xf32>,
    %lt3A = vector.broadcast %arg1 : i32 to vector<16xi32>
    %lt3A_16 = arith.cmpi slt, %iota3A, %lt3A : vector<16xi32>
    %broadcast_in_dim3A_17 = arith.constant 0.000000e+00 : f32
    %broadcast_in_dim3A_18 = vector.broadcast %broadcast_in_dim3A_17 : f32 to vector<16xf32>
    %select_n3A = arith.select %lt3A_16, %gather3A, %broadcast_in_dim3A_18 : vector<16xi1>, vector<16xf32>
    %reduce_sum3A_19 = arith.constant true
    %reduce_sum3A_20 = vector.broadcast %reduce_sum3A_19 : i1 to vector<16xi1>
    %reduce_sum3A_21 = tpu.scan <sum>, %select_n3A masked %reduce_sum3A_20 : vector<16xf32>, vector<16xi1> -> vector<16xf32>
    %reduce_sum3A_22 = vector.extract %reduce_sum3A_21[15] : f32 from vector<16xf32>
    %broadcast_in_dim3A_23 = arith.constant 15 : i32
    %broadcast_in_dim3A_24 = vector.broadcast %broadcast_in_dim3A_23 : i32 to vector<16xi32>
    %broadcast_in_dim3A_25 = vector.broadcast %reduce_sum3A_22 : f32 to vector<16xf32>
    %parallel_loop3A_26 = arith.constant 0 : i32
    %parallel_loop3A_27 = arith.constant 128 : i32
    %parallel_loop3A_28 = arith.constant 1 : i32
    %parallel_loop3A_29 = scf.for %parallel_loop3A_30 = %parallel_loop3A_26 to %parallel_loop3A_27 step %parallel_loop3A_28 iter_args(%parallel_loop3A_31 = %broadcast_in_dim3A_25) -> (vector<16xf32>)  : i32 {
      %parallel_loop3A_32 = arith.constant 16 : i32
      %parallel_loop3A_33 = arith.muli %parallel_loop3A_30, %parallel_loop3A_32 : i32
      %parallel_loop3A_34 = arith.index_cast %parallel_loop3A_33 : i32 to index
      %parallel_loop3A_35 = tpu.vector_load %arg4[%parallel_loop3A_34] {strides = array<i32>} : memref<2048xf32, #tpu.memory_space<vmem>>, vector<16xf32>,
      %parallel_loop3A_36 = arith.constant true
      %parallel_loop3A_37 = vector.broadcast %parallel_loop3A_36 : i1 to vector<16xi1>
      %parallel_loop3A_38 = tpu.scan <sum>, %parallel_loop3A_35 masked %parallel_loop3A_37 : vector<16xf32>, vector<16xi1> -> vector<16xf32>
      %parallel_loop3A_39 = arith.subf %parallel_loop3A_38, %parallel_loop3A_35 : vector<16xf32>
      %parallel_loop3A_40 = arith.addf %parallel_loop3A_39, %parallel_loop3A_31 : vector<16xf32>
      %parallel_loop3A_41 = arith.constant 16 : i32
      %parallel_loop3A_42 = arith.muli %parallel_loop3A_30, %parallel_loop3A_41 : i32
      %parallel_loop3A_43 = arith.index_cast %parallel_loop3A_42 : i32 to index
      %parallel_loop3A_44 = tpu.vector_load %arg5[%parallel_loop3A_43] {strides = array<i32>} : memref<2048xf32, #tpu.memory_space<vmem>>, vector<16xf32>,
      tpu.vector_store %arg5[%parallel_loop3A_43], %parallel_loop3A_40 {strides = array<i32>} : memref<2048xf32, #tpu.memory_space<vmem>>, vector<16xf32>,
      %parallel_loop3A_45 = arith.constant 0 : i32
      %parallel_loop3A_46 = vector.broadcast %parallel_loop3A_45 : i32 to vector<16xi32>
      %parallel_loop3A_47 = arith.cmpi slt, %broadcast_in_dim3A_24, %parallel_loop3A_46 : vector<16xi32>
      %parallel_loop3A_48 = arith.constant 16 : i32
      %parallel_loop3A_49 = vector.broadcast %parallel_loop3A_48 : i32 to vector<16xi32>
      %parallel_loop3A_50 = arith.addi %broadcast_in_dim3A_24, %parallel_loop3A_49 : vector<16xi32>
      %parallel_loop3A_51 = arith.select %parallel_loop3A_47, %parallel_loop3A_50, %broadcast_in_dim3A_24 : vector<16xi1>, vector<16xi32>
      %parallel_loop3A_52 = vector.shape_cast %parallel_loop3A_51 : vector<16xi32> to vector<16x1xi32>
      %parallel_loop3A_53 = vector.shape_cast %parallel_loop3A_52 : vector<16x1xi32> to vector<16xi32>
      %parallel_loop3A_54 = tpu.dynamic_gather %parallel_loop3A_38[%parallel_loop3A_53] in [0] : vector<16xf32>, vector<16xi32> -> vector<16xf32>
      %parallel_loop3A_55 = arith.addf %parallel_loop3A_31, %parallel_loop3A_54 : vector<16xf32>
      scf.yield %parallel_loop3A_55 : vector<16xf32>
    } {sc.loop_unroll_factor = 8 : i64, sc.parallel_access}
    "tpu.region"() ({
      %run_scoped3A = tpu.sem_alloc : memref<!tpu.dma_semaphore, #tpu.memory_space<semaphore_mem>>
      %dma_start3A = tpu.memref_slice %arg3[%mul3A_0] : memref<32768xf32, #tpu.memory_space<hbm>> -> memref<2048xf32, #tpu.memory_space<hbm>>
      %dma_start3A_30 = tpu.memref_slice %arg3[%mul3A_0] : memref<32768xf32, #tpu.memory_space<hbm>> -> memref<2048xf32, #tpu.memory_space<hbm>>
      tpu.enqueue_dma source(%arg5 : memref<2048xf32, #tpu.memory_space<vmem>>) target(%dma_start3A_30 : memref<2048xf32, #tpu.memory_space<hbm>>) target_semaphore(%run_scoped3A : memref<!tpu.dma_semaphore, #tpu.memory_space<semaphore_mem>>)
      %dma_wait3A = tpu.memref_slice %arg3[%mul3A_0] : memref<32768xf32, #tpu.memory_space<hbm>> -> memref<2048xf32, #tpu.memory_space<hbm>>
      %dma_wait3A_31 = tpu.memref_slice %arg3[%mul3A_0] : memref<32768xf32, #tpu.memory_space<hbm>> -> memref<2048xf32, #tpu.memory_space<hbm>>
      tpu.wait_dma2 semaphore(%run_scoped3A : memref<!tpu.dma_semaphore, #tpu.memory_space<semaphore_mem>>) src(%arg5 : memref<2048xf32, #tpu.memory_space<vmem>>) dst(%dma_wait3A_31 : memref<2048xf32, #tpu.memory_space<hbm>>)
      tpu.yield
    }) : () -> ()
    return
  }
}

</mosaic_0001>

<sc_bundles>
// kernel: kernel.3.cloned.1.call-start
scs
__scs_entry_jumppad:
0x0: {  	(pc) =	sbr.rel $0x88, $3  }
0x1: {  	(tag) =	ssettag $0x0;
	lr =	simm.s32 $0x1  }
0x2: {  	[smem:$0x3FA0] =	sst lr;
	_ =	strace $0xD0000000  }
0x3: {  	_ = 	snop  }
0x4: {  	_ = 	snop  }
0x5: {  	_ = 	snop  }
0x6: {  	_ = 	snop  }
0x7: {  	_ = 	snop  }
__scs_overlays_trampoline_lowered:
0x8: {  	[smem:$0x3FAF] =	sst s0  }
0x9: {  	[smem:$0x3FB0] =	sst s1  }
0xa: {  	[smem:$0x3FB1] =	sst s2  }
0xb: {  	[smem:$0x3FB2] =	sst s3  }
0xc: {  	[smem:$0x3FB3] =	sst s4  }
0xd: {  	[smem:$0x3FB4] =	sst s5  }
0xe: {  	[smem:$0x3FB5] =	sst s6  }
0xf: {  	[smem:$0x3FB6] =	sst s7  }
0x10: {  	[smem:$0x3FB7] =	sst s8  }
0x11: {  	[smem:$0x3FB8] =	sst s9;
	s0 =	simm.s32 @!p0 $0x0  }
0x12: {  	s1 =	sld [smem:$0x3F9E];
	s0 =	simm.s32 @p0 $0x1  }
0x13: {  	[smem:$0x3FB9] =	sst s0;
	s0 =	simm.s32 @!p1 $0x0  }
0x14: {  	s2 =	sld [smem:$0x3F9D];
	s0 =	simm.s32 @p1 $0x1  }
0x15: {  	[smem:$0x3FBA] =	sst s0;
	s0 =	simm.s32 @!p2 $0x0  }
0x16: {  	s3 =	sld [smem:$0x3FDB];
	s0 =	simm.s32 @p2 $0x1  }
0x17: {  	s4 =	simm.s32 $0x1BF5;
	[smem:$0x3FBC] =	sst s0  }
0x18: {  	s0 =	sld [smem:$0x3F9F];
	_ =	swait.ge [sflag:s4], $0x0  }
0x19: {  	s7 =	sld [smem:$0x3FA0]  }
0x1a: {  	s8 =	sadd.s32 $0xFFFFE003, lr  }
0x1b: {  	s9 =	sadd.s32 $0xFFFFFEF7, lr;
	s5 =	simm.s32 $0xFFFFFFFF;
	p2 =	slt.u32 s8, $0xFFFFF086  }
0x1c: {  	p1 =	slt.u32 s9, $0xF7A;
	s5 =	simm.s32 @!p2 $0x0  }
0x1d: {  	s5 =	simm.s32 @p1 $0x1;
	p0 =	seq.s32 s7, s2  }
0x1e: {  	s7 =	smul.u32 @!p0 $0xF7A, s2;
	p2 =	seq.s32 @!p0 s5, $0x0  }
0x1f: {  	s9 =	smul.u32 $0xF7A, s1;
	s8 =	simm.s32 @!p0 $0x1BF5;
	p2 =	por !p2, p0  }
0x20: {  	[sflag:s8] =	ssyncset.s32 @!p0 $0xFFFFF086;
	s6 =	sadd.s32 @!p0 s3, s7;
	s7 =	simm.s32 @!p0 $0x108  }
0x21: {  	s3 =	sadd.s32 s3, s9;
	s6 =	sadd.s32 @!p0 $0x88, s6;
	s7 =	simm.s32 @p2 $0x1082  }
0x22: {  	[simem:s7], [sflag:s8] =	dma.local @!p0 [hbm:s6], $0xF7A  }
0x23: {  	s9 =	sor.u32 $0xD0000000, s2;
	s6 =	simm.s32 $0x108;
	_ =	swait.ge @!p0 [sflag:s8], $0x0  }
0x24: {  	s3 =	sadd.s32 $0x88, s3;
	s6 =	simm.s32 @!p1 $0x1082;
	[sflag:s4] =	ssyncset.s32 $0xFFFFF086  }
0x25: {  	[simem:s6], [sflag:s4] =	dma.local [hbm:s3], $0xF7A  }
0x26: {  	[smem:$0x3FA0] =	sst s1;
	(tag) =	ssettag s2;
	_ =	strace s9  }
0x27: {  	s1 =	sld [smem:$0x3FB0]  }
0x28: {  	s2 =	sld [smem:$0x3FB1]  }
0x29: {  	s4 =	sld [smem:$0x3FB3]  }
0x2a: {  	p0 =	seq.s32 s5, $0x0;
	s5 =	sld [smem:$0x3FB4]  }
0x2b: {  	s6 =	sld [smem:$0x3FB5]  }
0x2c: {  	s7 =	sld [smem:$0x3FB6]  }
0x2d: {  	s3 =	simm.s32 $0x108;
	s8 =	sld [smem:$0x3FB7]  }
0x2e: {  	s3 =	simm.s32 @!p0 $0x1082;
	s9 =	sld [smem:$0x3FB8]  }
0x2f: {  	lr =	sadd.s32 s0, s3;
	s0 =	sld [smem:$0x3FAF]  }
0x30: {  	s3 =	sld [smem:$0x3FB2]  }
0x31: {  	[smem:$0x3FBB] =	sst s10  }
0x32: {  	s10 =	sld [smem:$0x3FB9];
	_ =	sdelay $0x3  }
0x33: {  	p0 =	seq.s32 s10, $0x1;
	s10 =	sld [smem:$0x3FBB];
	_ =	sdelay $0x3  }
0x34: {  	[smem:$0x3FBB] =	sst s10  }
0x35: {  	s10 =	sld [smem:$0x3FBA];
	_ =	sdelay $0x3  }
0x36: {  	p1 =	seq.s32 s10, $0x1;
	s10 =	sld [smem:$0x3FBB];
	_ =	sdelay $0x3  }
0x37: {  	[smem:$0x3FBB] =	sst s10  }
0x38: {  	s10 =	sld [smem:$0x3FBC]  }
0x39: {  	_ = 	snop;
	(pc) =	sbr.ind lr, $3  }
0x3a: {  	_ = 	snop  }
0x3b: {  	_ = 	snop  }
0x3c: {  	p2 =	seq.s32 s10, $0x1;
	s10 =	sld [smem:$0x3FBB]  }
0x3d: {  	_ =	shalt  }
0x3e: {  	_ =	shalt  }
0x3f: {  	_ =	shalt  }
0x40: {  	_ =	shalt  }
0x41: {  	_ =	shalt  }
0x42: {  	_ =	shalt  }
0x43: {  	_ =	shalt  }
0x44: {  	_ =	shalt  }
0x45: {  	_ =	shalt  }
0x46: {  	_ =	shalt  }
0x47: {  	_ =	shalt  }
0x48: {  	_ =	shalt  }
0x49: {  	_ =	shalt  }
0x4a: {  	_ =	shalt  }
0x4b: {  	_ =	shalt  }
0x4c: {  	_ =	shalt  }
0x4d: {  	_ =	shalt  }
0x4e: {  	_ =	shalt  }
0x4f: {  	_ =	shalt  }
0x50: {  	_ =	shalt  }
0x51: {  	_ =	shalt  }
0x52: {  	_ =	shalt  }
0x53: {  	_ =	shalt  }
0x54: {  	_ =	shalt  }
0x55: {  	_ =	shalt  }
0x56: {  	_ =	shalt  }
0x57: {  	_ =	shalt  }
0x58: {  	_ =	shalt  }
0x59: {  	_ =	shalt  }
0x5a: {  	_ =	shalt  }
0x5b: {  	_ =	shalt  }
0x5c: {  	_ =	shalt  }
0x5d: {  	_ =	shalt  }
0x5e: {  	_ =	shalt  }
0x5f: {  	_ =	shalt  }
0x60: {  	_ =	shalt  }
0x61: {  	_ =	shalt  }
0x62: {  	_ =	shalt  }
0x63: {  	_ =	shalt  }
0x64: {  	_ =	shalt  }
0x65: {  	_ =	shalt  }
0x66: {  	_ =	shalt  }
0x67: {  	_ =	shalt  }
0x68: {  	_ =	shalt  }
0x69: {  	_ =	shalt  }
0x6a: {  	_ =	shalt  }
0x6b: {  	_ =	shalt  }
0x6c: {  	_ =	shalt  }
0x6d: {  	_ =	shalt  }
0x6e: {  	_ =	shalt  }
0x6f: {  	_ =	shalt  }
0x70: {  	_ =	shalt  }
0x71: {  	_ =	shalt  }
0x72: {  	_ =	shalt  }
0x73: {  	_ =	shalt  }
0x74: {  	_ =	shalt  }
0x75: {  	_ =	shalt  }
0x76: {  	_ =	shalt  }
0x77: {  	_ =	shalt  }
0x78: {  	_ =	shalt  }
0x79: {  	_ =	shalt  }
0x7a: {  	_ =	shalt  }
0x7b: {  	_ =	shalt  }
0x7c: {  	_ =	shalt  }
0x7d: {  	_ =	shalt  }
0x7e: {  	_ =	shalt  }
0x7f: {  	_ =	shalt  }
0x80: {  	_ =	shalt  }
0x81: {  	_ =	shalt  }
0x82: {  	_ =	shalt  }
0x83: {  	_ =	shalt  }
0x84: {  	_ =	shalt  }
0x85: {  	_ =	shalt  }
0x86: {  	_ =	shalt  }
0x87: {  	_ =	shalt  }
.Lfunc_end0:
.L_simem_size_0:
called_computation_lowered:
.L_overlay_start_0:
0x88: {  	s0 =	sld [smem:$0x3FD9]  }
0x89: {  	s1 =	sld [smem:$0x3FFE];
	_ =	sdelay $0x3  }
0x8a: {  	s0 =	sadd.s32 s1, s0  }
0x8b: {  	[smem:$0x3FC7] =	sst s0  }
0x8c: {  	_ = 	snop  }
0x8d: {  	s0 =	sld [smem:$0x3FC9]  }
0x8e: {  	s17 =	sld [smem:$0x3FD0];
	(tm) =	ssettm $0x1  }
0x8f: {  	s2 =	sld [smem:$0x3FFB];
	_ =	sdelay $0x3  }
0x90: {  	_ =	strace s2  }
0x91: {  	s2 =	sld [smem:$0x3FFC];
	_ =	sdelay $0x3  }
0x92: {  	_ =	strace s2  }
0x93: {  	s2 =	sld [smem:$0x3FFD];
	_ =	sdelay $0x3  }
0x94: {  	_ =	strace s2  }
0x95: {  	_ =	strace $0x8FFFFFFF  }
0x96: {  	s18 =	sld [smem:$0x3FDB];
	_ =	sdelay $0x1  }
0x97: {  	s3 =	simm.s32 $_scs_section_size  }
0x98: {  	s4 =	simm.s32 $_size__tile_overlayer_lowered;
	s5 =	simm.s32 $_tile_overlayer_lowered  }
0x99: {  	s21 =	simm.s32 $0x1BFF;
	s20 =	sshll.u32 s5, $0x1;
	s2 =	sadd.s32 s3, s18  }
0x9a: {  	s6 =	simm.s32 $0x0;
	s19 =	sshll.u32 s4, $0x1;
	s4 =	sadd.s32 s20, s2  }
0x9b: {  	[timem:s6], [sflag:s21] =	dma.local [hbm:s4], s19  }
0x9c: {  	_ =	swait.ge [sflag:s21], s19  }
0x9d: {  	s3 =	ssub.s32 $0x0, s19;
	[sflag:s21] =	ssyncset.done $0x0  }
0x9e: {  	[sflag:s21] =	ssyncadd.s32 s3;
	_ =	sdelay $0x1  }
0x9f: {  	s22 =	simm.s32 $0x1B8B  }
0xa0: {  	_ =	swait.ge [sflag:s22], $0x1  }
0xa1: {  	[sflag:s22] =	ssyncset.done $0x0  }
0xa2: {  	s23 =	simm.s32 $0x1B8E;
	[sflag:s22] =	ssyncadd.s32 $0xFFFFFFFF  }
0xa3: {  	s24 =	simm.s32 $execute0_lowered;
	[smem:$0x3FD2] =	sst s23  }
0xa4: {  	s3 =	sshll.u32 s24, $0x1;
	_ =	strace $0x80000046;
	[dreg:$0x1] =	wrdreg $0xFFFFFFFF  }
0xa5: {  	s25 =	simm.s32 $_size_execute0_lowered;
	s2 =	sadd.s32 s2, s3;
	[dreg:$0x0] =	wrdreg $0x0  }
0xa6: {  	s3 =	sshll.u32 s25, $0x1;
	[dreg:$0x2] =	wrdreg s2  }
0xa7: {  	[dreg:$0x3] =	wrdreg s3  }
0xa8: {  	[dreg:$0x4] =	wrdreg $0xC0  }
0xa9: {  	_ =	task [dreg:s6], $0x5FFFF  }
0xaa: {  	[dreg:$0x1] =	wrdreg $0xFFFFFFFF  }
0xab: {  	[dreg:$0x0] =	wrdreg $0x60  }
0xac: {  	[dreg:$0x2] =	wrdreg s0  }
0xad: {  	[dreg:$0x3] =	wrdreg s17  }
0xae: {  	[dreg:$0x4] =	wrdreg $0x10000  }
0xaf: {  	[dreg:$0x5] =	wrdreg $0x9  }
0xb0: {  	_ =	task.clear_ibuf [dreg:s6], $0x6FFFF;
	_ =	strace $0x90000046  }
0xb1: {  	s26 =	simm.s32 $0x9;
	_ =	strace $0x80000048  }
0xb2: {  	_ =	swait.ge [sflag:s26], $0x1  }
0xb3: {  	[sflag:s26] =	ssyncadd.s32 $0xFFFFFFFF  }
0xb4: {  	_ =	strace $0x90000048  }
0xb5: {  	_ =	sfence  }
0xb6: {  	s28 =	sld [smem:$0x0];
	_ =	sdelay $0x1  }
0xb7: {  	s29 =	srdreg.scid  }
0xb8: {  	s30 =	sshll.u32 s29, $0xD;
	s31 =	sshrl.u32 s29, $0x2  }
0xb9: {  	s1 =	sand.u32 $0x1, s29;
	s2 =	sand.u32 $0x4000, s30;
	s0 =	sadd.s32 s31, s28  }
0xba: {  	s1 =	sor.u32 s2, s1;
	s0 =	sshll.u32 s0, $0x11  }
0xbb: {  	s0 =	sor.u32 s0, s1  }
0xbc: {  	s0 =	sadd.s32 $0x8F2B, s0  }
0xbd: {  	[sflag:s0] =	ssyncadd.remote.s32 $0x1  }
0xbe: {  	_ =	sfence.sel $0xFFFF  }
0xbf: {  	[dreg:$0x0] =	wrdreg $0xFFFFFFFF;
	(pc) =	sbr.abs _section_cstart, $3  }
0xc0: {  	[dreg:$0x1] =	wrdreg $0xFFFFFFFF  }
0xc1: {  	_ =	task.clear_ibuf [dreg:s6], $0x2FFFF;
	_ =	strace $0x9FFFFFFF  }
0xc2: {  	(tm) =	ssettm $0x7FFFFFFF  }
0xc3: {  	_ =	shalt  }
tec
execute0_lowered:
.L_overlay_start_1:
0x0: {  	(tag) =	ssettag $0x1  }
0x1: {  	s5 =	rddreg [dreg:$0x0]  }
0x2: {  	s2 =	rddreg [dreg:$0x1]  }
0x3: {  	s4 =	rddreg [dreg:$0x2]  }
0x4: {  	s0 =	rddreg [dreg:$0x3];
	s6 =	simm.s32 $0x0;
	s1 =	stileid.u32  }
0x5: {  	[smem:$0x7FF] =	sst s6;
	s3 =	sshll.u32 s1, $0x8  }
0x6: {  	s30 =	simm.s32 $0x1;
	_ =	strace $0x80000047;
	s5 =	sadd.s32 s5, s3  }
0x7: {  	[tilespmem:s6], [sflag:$0x1] =	stream.linear.gather [hbm4b:s5+s6], $0x800, $0x38;
	[tilespmem:$0x1010] =	vst v63  }
0x8: {  	_ =	swait.ge [sflag:s30], $0x800  }
0x9: {  	[sflag:s30] =	ssyncset.done $0x0  }
0xa: {  	s31 =	simm.s32 $0x40;
	[sflag:s30] =	ssyncadd.s32 $0xFFFFF800  }
0xb: {  	v0 =	vld [tilespmem:s31+$0xFFFFFFC0];
	_ =	sdelay $0x1  }
0xc: {  	v1 =	vld [tilespmem:s31+$0xFFFFFFD0];
	_ =	sdelay $0x1  }
0xd: {  	v2 =	vimm.f32 $0.0e+00;
	v3 =	vld [tilespmem:s31+$0xFFFFFFE0]  }
0xe: {  	v0 =	vadd.f32 v0, v2  }
0xf: {  	v2 =	vld [tilespmem:s31+$0xFFFFFFF0]  }
0x10: {  	v0 =	vadd.f32 v1, v0  }
0x11: {  	v1 =	vld [tilespmem:s31+$0x0]  }
0x12: {  	v0 =	vadd.f32 v3, v0;
	_ =	sdelay $0x1  }
0x13: {  	v3 =	vld [tilespmem:s31+$0x10];
	v0 =	vadd.f32 v2, v0;
	_ =	sdelay $0x1  }
0x14: {  	v2 =	vadd.f32 v1, v0;
	v0 =	vld [tilespmem:s31+$0x20];
	_ =	sdelay $0x1  }
0x15: {  	v1 =	vld [tilespmem:s31+$0x30]  }
0x16: {  	s5 =	simm.s32 $0x0;
	s6 =	simm.s32 $0xC0;
	v2 =	vadd.f32 v3, v2  }
.LBB2_1:
0x17: {  	v3 =	vld [tilespmem:s6+$0xFFFFFFC0];
	s5 =	sadd.s32 $0x8, s5  }
0x18: {  	p0 =	slt.u32 s5, $0x78;
	v0 =	vadd.f32 v0, v2  }
0x19: {  	v2 =	vld [tilespmem:s6+$0xFFFFFFD0]  }
0x1a: {  	v0 =	vadd.f32 v1, v0  }
0x1b: {  	v1 =	vld [tilespmem:s6+$0xFFFFFFE0]  }
0x1c: {  	v0 =	vadd.f32 v3, v0  }
0x1d: {  	v3 =	vld [tilespmem:s6+$0xFFFFFFF0]  }
0x1e: {  	v0 =	vadd.f32 v2, v0  }
0x1f: {  	v2 =	vld [tilespmem:s6+$0x0]  }
0x20: {  	v0 =	vadd.f32 v1, v0  }
0x21: {  	v4 =	vld [tilespmem:s6+$0x10]  }
.Ltmp0:
0x22: {  	v1 =	vadd.f32 v3, v0;
	(pc) =	sbr.rel @p0 .LBB2_1-.Ltmp0, $4  }
0x23: {  	v0 =	vld [tilespmem:s6+$0x20]  }
0x24: {  	v2 =	vadd.f32 v2, v1  }
0x25: {  	v1 =	vld [tilespmem:s6+$0x30]  }
0x26: {  	s6 =	sadd.s32 $0x80, s6;
	v2 =	vadd.f32 v4, v2  }
0x27: {  	_ = 	snop  }
0x28: {  	v0 =	vadd.f32 v0, v2;
	_ =	sdelay $0x1  }
0x29: {  	v0 =	vadd.f32 v1, v0;
	_ =	sdelay $0x1  }
0x2a: {  	(xrf2) =	vadd.scan.msk.f32 $0xffff, v0;
	_ =	sdelay $0x9  }
0x2b: {  	v0, _, _ =	vpop (xrf2)  }
0x2c: {  	v0 =	vbroadcast v0, $0xF  }
0x2d: {  	s5 =	sshll.u32 s1, $0x4  }
0x2e: {  	s6 =	simm.s32 $0x800;
	s30 =	simm.s32 $0x1;
	s5 =	sadd.s32 s5, s4;
	[tilespmem:$0x800] =	vst v0  }
0x2f: {  	[spmem:s5] =	stream.linear.scatter [tilespmem:s6], [sflag:$0x1], $0x10, $0x38;
	[tilespmem:$0x1010] =	vst v63  }
0x30: {  	_ =	swait.ge [sflag:s30], $0x10  }
0x31: {  	[sflag:s30] =	ssyncset.done $0x0  }
0x32: {  	v0 =	vlaneseq.u32;
	[sflag:s30] =	ssyncadd.s32 $0xFFFFFFF0  }
0x33: {  	v1 =	vmul.u32 $0x10, v0;
	[bflag:$0x0] =	sbarrier.arrive $0xFFFF  }
0x34: {  	[bflag:$0x0] =	sbarrier.arrive $0xFFFF  }
0x35: {  	[tilespmem:s6], [sflag:$0x1] =	stream.linear.gather [spmem:s4], $0x100, $0x38;
	[tilespmem:$0x1010] =	vst v63  }
0x36: {  	_ =	swait.ge [sflag:s30], $0x100  }
0x37: {  	[sflag:s30] =	ssyncset.done $0x0  }
0x38: {  	[sflag:s30] =	ssyncadd.s32 $0xFFFFFF00  }
0x39: {  	v1 =	vld.idx.msk [tilespmem:v1+s6+$0x0], $0xffff  }
0x3a: {  	s31 =	simm.s32 $0x40  }
0x3b: {  	v2 =	vld [tilespmem:s31+$0xFFFFFFC0]  }
0x3c: {  	v3 =	vmov s1  }
0x3d: {  	vm0 =	vgt.u32 v3, v0  }
0x3e: {  	v0 =	vnsel vm0, $0x0, v1  }
0x3f: {  	v3 =	vld [tilespmem:s31+$0xFFFFFFD0];
	(xrf2) =	vadd.scan.msk.f32 $0xffff, v0  }
0x40: {  	v4 =	vld [tilespmem:s31+$0xFFFFFFE0];
	(xrf2) =	vadd.scan.msk.f32 $0xffff, v2;
	_ =	sdelay $0x2  }
0x41: {  	v5 =	vld [tilespmem:s31+$0xFFFFFFF0]  }
0x42: {  	v6 =	vld [tilespmem:s31+$0x0];
	(xrf2) =	vadd.scan.msk.f32 $0xffff, v3  }
0x43: {  	(xrf2) =	vadd.scan.msk.f32 $0xffff, v4;
	_ =	sdelay $0x2  }
0x44: {  	v7 =	vld [tilespmem:s31+$0x10];
	(xrf2) =	vadd.scan.msk.f32 $0xffff, v5  }
0x45: {  	(xrf2) =	vadd.scan.msk.f32 $0xffff, v6;
	v8, _, _ =	vpop (xrf2)  }
0x46: {  	v1 =	vld [tilespmem:s31+$0x20];
	v0 =	vimm.s32 $0xF;
	v9, _, _ =	vpop (xrf2)  }
0x47: {  	v8 =	vbroadcast v8, $0xF;
	v10 =	vperm.xlane v9, v0;
	v2 =	vsub.f32 v9, v2;
	_ =	sdelay $0x1  }
0x48: {  	(xrf2) =	vadd.scan.msk.f32 $0xffff, v7;
	v10 =	vadd.f32 v10, v8;
	v8 =	vadd.f32 v2, v8;
	v2 =	vld [tilespmem:s31+$0x30]  }
0x49: {  	v11, _, _ =	vpop (xrf2)  }
0x4a: {  	s6 =	simm.s32 $0xC0;
	(xrf2) =	vadd.scan.msk.f32 $0xffff, v1;
	v12 =	vperm.xlane v11, v0;
	v13, _, _ =	vpop (xrf2)  }
0x4b: {  	v3 =	vsub.f32 v11, v3;
	v61 =	vsub.f32 v13, v4;
	v4 =	vld [tilespmem:s6+$0xFFFFFFC0]  }
0x4c: {  	v11 =	vperm.xlane v13, v0;
	v9 =	vadd.f32 v12, v10  }
0x4d: {  	v62, _, _ =	vpop (xrf2);
	v10 =	vadd.f32 v3, v10;
	(xrf2) =	vadd.scan.msk.f32 $0xffff, v2  }
0x4e: {  	s4 =	simm.s32 $0x840;
	v14 =	vperm.xlane v62, v0;
	v63, _, _ =	vpop (xrf2);
	v3 =	vld [tilespmem:s6+$0xFFFFFFD0];
	v11 =	vadd.f32 v11, v9;
	v9 =	vadd.f32 v61, v9  }
0x4f: {  	v5 =	vsub.f32 v62, v5;
	[tilespmem:s4+$0xFFFFFFC0] =	vst v8;
	v6 =	vsub.f32 v63, v6  }
0x50: {  	v8 =	vadd.f32 v14, v11;
	[tilespmem:s4+$0xFFFFFFE0] =	vst v9;
	v9 =	vperm.xlane v63, v0;
	(xrf2) =	vadd.scan.msk.f32 $0xffff, v4  }
0x51: {  	[tilespmem:s4+$0xFFFFFFD0] =	vst v10;
	v10 =	vadd.f32 v5, v11;
	v5 =	vld [tilespmem:s6+$0xFFFFFFE0]  }
0x52: {  	v6 =	vadd.f32 v6, v8;
	v11, _, _ =	vpop (xrf2)  }
0x53: {  	[tilespmem:s4+$0xFFFFFFF0] =	vst v10;
	(xrf2) =	vadd.scan.msk.f32 $0xffff, v3;
	v8 =	vadd.f32 v9, v8;
	v10 =	vperm.xlane v11, v0  }
0x54: {  	s7 =	simm.s32 $0x8;
	s5 =	simm.s32 $0x840;
	v7 =	vsub.f32 v11, v7;
	[tilespmem:s4+$0x0] =	vst v6;
	v6 =	vld [tilespmem:s6+$0xFFFFFFF0];
	v9, _, _ =	vpop (xrf2)  }
.LBB2_3:
0x55: {  	s7 =	sadd.s32 $0x8, s7;
	v10 =	vadd.f32 v10, v8;
	v13 =	vperm.xlane v9, v0;
	s4 =	sadd.s32 $0x80, s4  }
0x56: {  	v1 =	vsub.f32 v9, v1;
	p0 =	slt.u32 s7, $0x78;
	v12 =	vld [tilespmem:s6+$0x0];
	(xrf2) =	vadd.scan.msk.f32 $0xffff, v5  }
0x57: {  	v9 =	vadd.f32 v13, v10;
	v11, _, _ =	vpop (xrf2)  }
0x58: {  	v1 =	vadd.f32 v1, v10;
	v13 =	vld [tilespmem:s6+$0x10];
	v2 =	vsub.f32 v11, v2;
	v10 =	vperm.xlane v11, v0  }
0x59: {  	v7 =	vadd.f32 v7, v8;
	(xrf2) =	vadd.scan.msk.f32 $0xffff, v6  }
0x5a: {  	v8, _, _ =	vpop (xrf2);
	[tilespmem:s5+$0x20] =	vst v1;
	v1 =	vadd.f32 v2, v9;
	v9 =	vadd.f32 v10, v9  }
0x5b: {  	v2 =	vsub.f32 v8, v4;
	v4 =	vperm.xlane v8, v0;
	[tilespmem:s5+$0x10] =	vst v7  }
0x5c: {  	(xrf2) =	vadd.scan.msk.f32 $0xffff, v12;
	[tilespmem:s5+$0x30] =	vst v1;
	s5 =	smov.u32 s4  }
0x5d: {  	v2 =	vadd.f32 v2, v9;
	v1 =	vld [tilespmem:s6+$0x20];
	v7, _, _ =	vpop (xrf2)  }
0x5e: {  	v3 =	vsub.f32 v7, v3  }
0x5f: {  	[tilespmem:s4+$0xFFFFFFC0] =	vst v2;
	v2 =	vld [tilespmem:s6+$0x30];
	(xrf2) =	vadd.scan.msk.f32 $0xffff, v13  }
0x60: {  	v4 =	vadd.f32 v4, v9;
	v7 =	vperm.xlane v7, v0;
	v8, _, _ =	vpop (xrf2)  }
0x61: {  	v5 =	vsub.f32 v8, v5  }
0x62: {  	s6 =	sadd.s32 $0x80, s6;
	v3 =	vadd.f32 v3, v4;
	v7 =	vadd.f32 v7, v4;
	v8 =	vperm.xlane v8, v0;
	(xrf2) =	vadd.scan.msk.f32 $0xffff, v1  }
0x63: {  	v4 =	vld [tilespmem:s6+$0xFFFFFFC0];
	v9, _, _ =	vpop (xrf2)  }
0x64: {  	v8 =	vadd.f32 v8, v7;
	[tilespmem:s4+$0xFFFFFFD0] =	vst v3;
	v6 =	vsub.f32 v9, v6;
	v10 =	vperm.xlane v9, v0  }
0x65: {  	v7 =	vadd.f32 v5, v7;
	v3 =	vld [tilespmem:s6+$0xFFFFFFD0];
	(xrf2) =	vadd.scan.msk.f32 $0xffff, v2  }
0x66: {  	v6 =	vadd.f32 v6, v8;
	v8 =	vadd.f32 v10, v8;
	v9, _, _ =	vpop (xrf2)  }
0x67: {  	v5 =	vld [tilespmem:s6+$0xFFFFFFE0];
	[tilespmem:s4+$0xFFFFFFE0] =	vst v7;
	v7 =	vsub.f32 v9, v12  }
.Ltmp1:
0x68: {  	(xrf2) =	vadd.scan.msk.f32 $0xffff, v4;
	[tilespmem:s4+$0xFFFFFFF0] =	vst v6;
	(pc) =	sbr.rel @p0 .LBB2_3-.Ltmp1, $4  }
0x69: {  	v11 =	vperm.xlane v9, v0;
	v6 =	vadd.f32 v7, v8;
	v10, _, _ =	vpop (xrf2)  }
0x6a: {  	v7 =	vsub.f32 v10, v13  }
0x6b: {  	v8 =	vadd.f32 v11, v8;
	v10 =	vperm.xlane v10, v0;
	(xrf2) =	vadd.scan.msk.f32 $0xffff, v3;
	[tilespmem:s4+$0x0] =	vst v6  }
0x6c: {  	v6 =	vld [tilespmem:s6+$0xFFFFFFF0];
	v9, _, _ =	vpop (xrf2)  }
0x6d: {  	_ = 	snop  }
0x6e: {  	v11 =	vld [tilespmem:s6+$0x0];
	(xrf2) =	vadd.scan.msk.f32 $0xffff, v5;
	_ =	sdelay $0x1  }
0x6f: {  	v12 =	vld [tilespmem:s6+$0x10]  }
0x70: {  	(xrf2) =	vadd.scan.msk.f32 $0xffff, v6  }
0x71: {  	v10 =	vadd.f32 v10, v8;
	v13 =	vperm.xlane v9, v0;
	v14 =	vld [tilespmem:s6+$0x20]  }
0x72: {  	v18 =	vld [tilespmem:s6+$0x30];
	v15, _, _ =	vpop (xrf2);
	(xrf2) =	vadd.scan.msk.f32 $0xffff, v11  }
0x73: {  	v13 =	vadd.f32 v13, v10;
	v16 =	vperm.xlane v15, v0  }
0x74: {  	v17, _, _ =	vpop (xrf2);
	(xrf2) =	vadd.scan.msk.f32 $0xffff, v12  }
0x75: {  	v16 =	vadd.f32 v16, v13;
	v19 =	vperm.xlane v17, v0  }
0x76: {  	v20, _, _ =	vpop (xrf2);
	(xrf2) =	vadd.scan.msk.f32 $0xffff, v14  }
0x77: {  	v1 =	vsub.f32 v9, v1;
	v42 =	vadd.f32 v19, v16;
	v43 =	vperm.xlane v20, v0;
	v21, _, _ =	vpop (xrf2);
	(xrf2) =	vadd.scan.msk.f32 $0xffff, v18  }
0x78: {  	v7 =	vadd.f32 v7, v8;
	v2 =	vsub.f32 v15, v2  }
0x79: {  	v1 =	vadd.f32 v1, v10;
	v44 =	vadd.f32 v43, v42;
	v45 =	vperm.xlane v21, v0  }
0x7a: {  	v2 =	vadd.f32 v2, v13;
	v4 =	vsub.f32 v17, v4;
	v22, _, _ =	vpop (xrf2)  }
0x7b: {  	v3 =	vsub.f32 v20, v3;
	v46 =	vadd.f32 v45, v44;
	v47 =	vperm.xlane v22, v0  }
0x7c: {  	v4 =	vadd.f32 v4, v16;
	v50 =	vsub.f32 v21, v5;
	v48, _, _ =	vpop (xrf2)  }
0x7d: {  	[tilespmem:s5+$0x10] =	vst v7;
	v3 =	vadd.f32 v3, v42;
	v49 =	vperm.xlane v48, v0;
	v15 =	vadd.f32 v47, v46  }
0x7e: {  	[tilespmem:s5+$0x20] =	vst v1;
	v1 =	vadd.f32 v50, v44;
	v52 =	vsub.f32 v22, v6;
	v51, _, _ =	vpop (xrf2)  }
0x7f: {  	s4 =	sadd.s32 $0x80, s4;
	[tilespmem:s5+$0x30] =	vst v2;
	v55 =	vsub.f32 v48, v11;
	v54 =	vperm.xlane v51, v0;
	v53 =	vadd.f32 v49, v15  }
0x80: {  	[tilespmem:s4+$0xFFFFFFC0] =	vst v4;
	v57 =	vadd.f32 v52, v46;
	v61 =	vsub.f32 v51, v12;
	v56, _, _ =	vpop (xrf2)  }
0x81: {  	[tilespmem:s4+$0xFFFFFFD0] =	vst v3;
	v59 =	vperm.xlane v56, v0;
	v2 =	vadd.f32 v55, v15;
	v62, _, _ =	vpop (xrf2);
	v58 =	vadd.f32 v54, v53  }
0x82: {  	[tilespmem:s4+$0xFFFFFFE0] =	vst v1;
	v60 =	vsub.f32 v56, v14;
	v63 =	vsub.f32 v62, v18  }
0x83: {  	[tilespmem:s4+$0xFFFFFFF0] =	vst v57;
	v1 =	vadd.f32 v61, v53;
	v0 =	vadd.f32 v59, v58  }
0x84: {  	[tilespmem:s4+$0x0] =	vst v2;
	v3 =	vadd.f32 v60, v58  }
0x85: {  	[tilespmem:s4+$0x10] =	vst v1;
	v0 =	vadd.f32 v63, v0  }
0x86: {  	s2 =	sadd.s32 s2, s3;
	[tilespmem:s4+$0x20] =	vst v3  }
0x87: {  	s29 =	simm.s32 $0x0;
	s30 =	simm.s32 $0x800;
	s31 =	simm.s32 $0x1;
	[tilespmem:s4+$0x30] =	vst v0  }
0x88: {  	[hbm4b:s2+s29] =	stream.linear.scatter [tilespmem:s30], [sflag:$0x1], $0x800, $0x38;
	[tilespmem:$0x1010] =	vst v63  }
0x89: {  	_ =	swait.ge [sflag:s31], $0x800  }
0x8a: {  	[sflag:s31] =	ssyncset.done $0x0  }
0x8b: {  	[sflag:s31] =	ssyncadd.s32 $0xFFFFF800  }
0x8c: {  	_ =	sfence.sel $0x180000  }
0x8d: {  	[bflag:$0x0] =	sbarrier.arrive $0xFFFF  }
0x8e: {  	p0 =	sne.s32 s1, $0x0;
	_ =	strace $0x90000047  }
0x8f: {  	s0 =	sadd.s32 @!p0 $0x100000, s0;
	[bflag:$0x2] =	sbarrier.arrive $0xFFFF  }
0x90: {  	[sflag:s0] =	ssyncadd.tile.s32 @!p0 $0x1;
	_ =	shalt  }
.Lfunc_end2:
_tile_overlayer_lowered:
.L_overlay_start_2:
0x91: {  	(tag) =	ssettag $0x2  }
0x92: {  	s0 =	rddreg [dreg:$0x0];
	s2 =	stileid.u32  }
0x93: {  	s1 =	rddreg [dreg:$0x1];
	p0 =	sne.s32 s2, $0x0  }
0x94: {  	s3 =	rddreg [dreg:$0x2];
	[bflag:$0x3] =	sbarrier.arrive $0xFFFF;
	s2 =	simm.s32 @!p0 $0x1C01  }
0x95: {  	[timem:s3], [sflag:s2] =	dma.local @!p0 [hbm:s0], s1  }
0x96: {  	s0 =	simm.s32 @!p0 $0x1  }
0x97: {  	_ =	swait.ge @!p0 [sflag:s0], s1  }
0x98: {  	s1 =	ssub.s32 @!p0 $0x0, s1;
	[sflag:s0] =	ssyncset.done @!p0 $0x0  }
0x99: {  	[sflag:s0] =	ssyncadd.s32 @!p0 s1  }
0x9a: {  	[bflag:$0x3] =	sbarrier.arrive $0xFFFF  }
0x9b: {  	_ =	shalt  }

</sc_bundles>
